<compile_context>
chip_gen: v7x
topology: tpu7x:2x2x1
jax: 0.10.2.dev20260603
libtpu: 0.0.44.dev20260713+nightly
codegen_flags: <defaults>
</compile_context>

<pallas_src>
import functools

import jax
import jax.numpy as jnp
from jax import lax
from jax.experimental import pallas as pl
from jax.experimental.pallas import tpu as pltpu
from jax.experimental.pallas import tpu_sc as plsc

_NUM_EMB = 8192
_DIM = 64
_COMMIT = 0.25
_TB = 2048
_N_TOK = 16384
_N_HALF = _N_TOK // 2

_NC = 2
_NS = 16
_NW = _NC * _NS
_BPW = _N_TOK // _NW
_IDX_CHUNK = 128
_NCH = _BPW // _IDX_CHUNK

_CB = 1024
_NCK = _NUM_EMB // _CB


def _argmin_body(z_ref, embT2_ref, e2_ref, iota_ref, idx_ref, acc_ref):
    zb = z_ref[...]
    z2 = jnp.sum(zb * zb, axis=1, keepdims=True)
    rmin = None
    ridx = None
    for c in range(_NCK):
        sl = pl.ds(c * _CB, _CB)
        mm2 = jnp.dot(zb, embT2_ref[:, sl], preferred_element_type=jnp.float32)
        d = (z2 + e2_ref[:, sl]) - mm2
        cmin = jnp.min(d, axis=1, keepdims=True)
        cidx = jnp.min(jnp.where(d == cmin, iota_ref[:, sl], jnp.float32(3e38)),
                       axis=1, keepdims=True)
        if c == 0:
            rmin, ridx = cmin, cidx
        else:
            ridx = jnp.where(cmin < rmin, cidx, ridx)
            rmin = jnp.minimum(cmin, rmin)
    idx_ref[...] = ridx.astype(jnp.int32).reshape(_TB // 128, 128)

    @pl.when(pl.program_id(0) == 0)
    def _init():
        acc_ref[...] = jnp.zeros_like(acc_ref)

    acc_ref[...] += jnp.sum(rmin)


def _tc_argmin(z_half, embT2, e2, iota_row):
    return pl.pallas_call(
        _argmin_body,
        grid=(_N_TOK // _TB,),
        in_specs=[
            pl.BlockSpec((_TB, _DIM), lambda i: (i, 0)),
            pl.BlockSpec((_DIM, _NUM_EMB), lambda i: (0, 0)),
            pl.BlockSpec((1, _NUM_EMB), lambda i: (0, 0)),
            pl.BlockSpec((1, _NUM_EMB), lambda i: (0, 0)),
        ],
        out_specs=[
            pl.BlockSpec((_TB // 128, 128), lambda i: (i, 0)),
            pl.BlockSpec((1, 1), lambda i: (0, 0)),
        ],
        out_shape=[
            jax.ShapeDtypeStruct((_N_TOK // 128, 128), jnp.int32),
            jax.ShapeDtypeStruct((1, 1), jnp.float32),
        ],
    )(z_half, embT2, e2, iota_row)


def _gather_body(table_hbm, idx_hbm, out_hbm, idx_v, rows_v, sem):
    wid = lax.axis_index("s") * _NC + lax.axis_index("c")
    base = wid * _BPW
    pltpu.sync_copy(idx_hbm.at[pl.ds(wid * _NCH, _NCH)], idx_v)
    for j in range(_NCH):
        pltpu.async_copy(table_hbm.at[idx_v.at[j]],
                         rows_v.at[pl.ds(j * _IDX_CHUNK, _IDX_CHUNK)], sem)
    for _ in range(_NCH):
        pltpu.make_async_copy(table_hbm.at[idx_v.at[0]],
                              rows_v.at[pl.ds(0, _IDX_CHUNK)], sem).wait()
    pltpu.sync_copy(rows_v, out_hbm.at[pl.ds(base, _BPW)])


_sc_gather = functools.partial(
    pl.kernel,
    out_type=jax.ShapeDtypeStruct((_N_TOK, _DIM), jnp.float32),
    mesh=plsc.VectorSubcoreMesh(core_axis_name="c", subcore_axis_name="s",
                                num_cores=_NC, num_subcores=_NS),
    scratch_types=[
        pltpu.VMEM((_NCH, _IDX_CHUNK), jnp.int32),
        pltpu.VMEM((_BPW, _DIM), jnp.float32),
        pltpu.SemaphoreType.DMA,
    ],
    compiler_params=pltpu.CompilerParams(use_tc_tiling_on_sc=False),
)(_gather_body)


def kernel(z, emb):
    b, c, h, w = z.shape
    zt = jnp.transpose(z, (0, 2, 3, 1))
    z_flat = zt.reshape(-1, _DIM)
    embT2 = (2.0 * emb).T
    e2 = jnp.sum(emb ** 2, axis=1)[None, :]
    iota_row = jnp.arange(_NUM_EMB, dtype=jnp.float32)[None, :]

    idx128, acc = _tc_argmin(z_flat, embT2, e2, iota_row)
    zq_flat = _sc_gather(emb, idx128)

    zq_t = zq_flat.reshape(b, h, w, c)
    z_q_st = jnp.transpose(zt + (zq_t - zt), (0, 3, 1, 2))
    indices = idx128.reshape(b, h, w)
    loss = acc[0, 0] / jnp.float32(z.size)
    vq_loss = loss + _COMMIT * loss
    return (z_q_st, vq_loss, loss, loss, indices)

# --- scband reference (transcript-rebuilt; emitter-appended) ---
"""Pipeline reference for scband-vector-quantizer-45904610460112 (READ-ONLY COPY).

The authoritative reference and input builder live on the scoring server;
editing this copy changes nothing except your own understanding.
"""

import jax, jax.numpy as jnp
import numpy as np

NUM_EMBEDDINGS = 8192
EMBEDDING_DIM = 64
COMMITMENT_COST = 0.25


def setup_inputs(seed: int = 0) -> dict:
    key = jax.random.key(seed)
    k1, k2 = jax.random.split(key)
    z = jax.random.normal(k1, (16, 64, 32, 32), dtype=jnp.float32)
    emb = jax.random.uniform(k2, (NUM_EMBEDDINGS, EMBEDDING_DIM), dtype=jnp.float32,
                             minval=-1.0 / NUM_EMBEDDINGS, maxval=1.0 / NUM_EMBEDDINGS)
    return {"z": z, "emb": emb}


def reference(z, emb):
    # b c h w -> b h w c
    zt = jnp.transpose(z, (0, 2, 3, 1))
    z_flat = zt.reshape(-1, EMBEDDING_DIM)
    distances = (jnp.sum(z_flat ** 2, axis=1, keepdims=True)
                 + jnp.sum(emb ** 2, axis=1)
                 - 2.0 * jnp.matmul(z_flat, emb.T))
    encoding_indices = jnp.argmin(distances, axis=1)
    z_q = jnp.take(emb, encoding_indices, axis=0)
    z_q = z_q.reshape(zt.shape)
    # b h w c -> b c h w
    z_q = jnp.transpose(z_q, (0, 3, 1, 2))
    codebook_loss = jnp.mean((jax.lax.stop_gradient(z_q) - z) ** 2)
    commitment_loss = jnp.mean((z_q - jax.lax.stop_gradient(z)) ** 2)
    vq_loss = codebook_loss + COMMITMENT_COST * commitment_loss
    # straight-through estimator
    z_q_st = z + jax.lax.stop_gradient(z_q - z)
    indices = encoding_indices.reshape(z.shape[0], z.shape[2], z.shape[3])
    return (z_q_st, vq_loss, codebook_loss, commitment_loss, indices)

if __name__ == "__main__":
    import jax
    _d = setup_inputs()
    print(jax.jit(kernel)(*tuple(_d.values())))

</pallas_src>

<mosaic_0001>
#map = affine_map<(d0, d1) -> (0, 0)>
module attributes {stable_mosaic.version = 14 : i64} {
  func.func @_gather_body(%arg0: i32, %arg1: i32, %arg2: memref<8192x64xf32, #tpu.memory_space<hbm>>, %arg3: memref<128x128xi32, #tpu.memory_space<hbm>>, %arg4: memref<16384x64xf32, #tpu.memory_space<hbm>>, %arg5: memref<4x128xi32, #tpu.memory_space<vmem>>, %arg6: memref<512x64xf32, #tpu.memory_space<vmem>>, %arg7: memref<!tpu.dma_semaphore, #tpu.memory_space<semaphore_mem>>) attributes {dimension_semantics = [#tpu.dimension_semantics<core_parallel>, #tpu.dimension_semantics<subcore_parallel>], iteration_bounds = array<i64: 2, 16>, scalar_prefetch = 0 : i64, scratch_operands = 3 : i64, tpu.core_type = #tpu.core_type<sc_vector_subcore>, window_params = [{transform_indices = #map}, {transform_indices = #map}, {transform_indices = #map}]} {
    %mul3A = arith.constant 2 : i32
    %mul3A_0 = arith.muli %arg1, %mul3A : i32
    %add3A = arith.addi %mul3A_0, %arg0 : i32
    %mul3A_1 = arith.constant 512 : i32
    %mul3A_2 = arith.muli %add3A, %mul3A_1 : i32
    %mul3A_3 = arith.constant 4 : i32
    %mul3A_4 = arith.muli %add3A, %mul3A_3 : i32
    "tpu.region"() ({
      %run_scoped3A = tpu.sem_alloc : memref<!tpu.dma_semaphore, #tpu.memory_space<semaphore_mem>>
      %dma_start3A_83 = arith.constant 0 : i32
      %dma_start3A_84 = tpu.memref_slice %arg3[%mul3A_4, %dma_start3A_83] : memref<128x128xi32, #tpu.memory_space<hbm>> -> memref<4x128xi32, #tpu.memory_space<hbm>>
      %dma_start3A_85 = arith.constant 0 : i32
      %dma_start3A_86 = tpu.memref_slice %arg3[%mul3A_4, %dma_start3A_85] : memref<128x128xi32, #tpu.memory_space<hbm>> -> memref<4x128xi32, #tpu.memory_space<hbm>>
      tpu.enqueue_dma source(%dma_start3A_86 : memref<4x128xi32, #tpu.memory_space<hbm>>) target(%arg5 : memref<4x128xi32, #tpu.memory_space<vmem>>) target_semaphore(%run_scoped3A : memref<!tpu.dma_semaphore, #tpu.memory_space<semaphore_mem>>)
      %dma_wait3A_87 = arith.constant 0 : i32
      %dma_wait3A_88 = tpu.memref_slice %arg3[%mul3A_4, %dma_wait3A_87] : memref<128x128xi32, #tpu.memory_space<hbm>> -> memref<4x128xi32, #tpu.memory_space<hbm>>
      %dma_wait3A_89 = arith.constant 0 : i32
      %dma_wait3A_90 = tpu.memref_slice %arg3[%mul3A_4, %dma_wait3A_89] : memref<128x128xi32, #tpu.memory_space<hbm>> -> memref<4x128xi32, #tpu.memory_space<hbm>>
      tpu.wait_dma2 semaphore(%run_scoped3A : memref<!tpu.dma_semaphore, #tpu.memory_space<semaphore_mem>>) src(%dma_wait3A_90 : memref<4x128xi32, #tpu.memory_space<hbm>>) dst(%arg5 : memref<4x128xi32, #tpu.memory_space<vmem>>)
      tpu.yield
    }) : () -> ()
    %dma_start3A = arith.constant 0 : i32
    %dma_start3A_5 = arith.constant 0 : i32
    %dma_start3A_6 = arith.constant 0 : i32
    %dma_start3A_7 = tpu.memref_slice %arg6[%dma_start3A_5, %dma_start3A_6] : memref<512x64xf32, #tpu.memory_space<vmem>> -> memref<128x64xf32, #tpu.memory_space<vmem>>
    %dma_start3A_8 = arith.constant 0 : i32
    %dma_start3A_9 = tpu.memref_slice %arg5[%dma_start3A, %dma_start3A_8] : memref<4x128xi32, #tpu.memory_space<vmem>> -> memref<1x128xi32, #tpu.memory_space<vmem>>
    %dma_start3A_10 = tpu.memref_squeeze %dma_start3A_9 : memref<1x128xi32, #tpu.memory_space<vmem>> -> memref<128xi32, #tpu.memory_space<vmem>>
    %dma_start3A_11 = arith.constant 0 : i32
    %dma_start3A_12 = arith.constant 0 : i32
    %dma_start3A_13 = tpu.memref_slice %arg2[%dma_start3A_11, %dma_start3A_12] : memref<8192x64xf32, #tpu.memory_space<hbm>> -> memref<8192x64xf32, #tpu.memory_space<hbm>>
    tpu.enqueue_indirect_dma source(%dma_start3A_13 : memref<8192x64xf32, #tpu.memory_space<hbm>>) target(%dma_start3A_7 : memref<128x64xf32, #tpu.memory_space<vmem>>) offsets(%dma_start3A_10 : memref<128xi32, #tpu.memory_space<vmem>>) semaphore(%arg7 : memref<!tpu.dma_semaphore, #tpu.memory_space<semaphore_mem>>)
    %dma_start3A_14 = arith.constant 1 : i32
    %dma_start3A_15 = arith.constant 128 : i32
    %dma_start3A_16 = arith.constant 0 : i32
    %dma_start3A_17 = tpu.memref_slice %arg6[%dma_start3A_15, %dma_start3A_16] : memref<512x64xf32, #tpu.memory_space<vmem>> -> memref<128x64xf32, #tpu.memory_space<vmem>>
    %dma_start3A_18 = arith.constant 0 : i32
    %dma_start3A_19 = tpu.memref_slice %arg5[%dma_start3A_14, %dma_start3A_18] : memref<4x128xi32, #tpu.memory_space<vmem>> -> memref<1x128xi32, #tpu.memory_space<vmem>>
    %dma_start3A_20 = tpu.memref_squeeze %dma_start3A_19 : memref<1x128xi32, #tpu.memory_space<vmem>> -> memref<128xi32, #tpu.memory_space<vmem>>
    %dma_start3A_21 = arith.constant 0 : i32
    %dma_start3A_22 = arith.constant 0 : i32
    %dma_start3A_23 = tpu.memref_slice %arg2[%dma_start3A_21, %dma_start3A_22] : memref<8192x64xf32, #tpu.memory_space<hbm>> -> memref<8192x64xf32, #tpu.memory_space<hbm>>
    tpu.enqueue_indirect_dma source(%dma_start3A_23 : memref<8192x64xf32, #tpu.memory_space<hbm>>) target(%dma_start3A_17 : memref<128x64xf32, #tpu.memory_space<vmem>>) offsets(%dma_start3A_20 : memref<128xi32, #tpu.memory_space<vmem>>) semaphore(%arg7 : memref<!tpu.dma_semaphore, #tpu.memory_space<semaphore_mem>>)
    %dma_start3A_24 = arith.constant 2 : i32
    %dma_start3A_25 = arith.constant 256 : i32
    %dma_start3A_26 = arith.constant 0 : i32
    %dma_start3A_27 = tpu.memref_slice %arg6[%dma_start3A_25, %dma_start3A_26] : memref<512x64xf32, #tpu.memory_space<vmem>> -> memref<128x64xf32, #tpu.memory_space<vmem>>
    %dma_start3A_28 = arith.constant 0 : i32
    %dma_start3A_29 = tpu.memref_slice %arg5[%dma_start3A_24, %dma_start3A_28] : memref<4x128xi32, #tpu.memory_space<vmem>> -> memref<1x128xi32, #tpu.memory_space<vmem>>
    %dma_start3A_30 = tpu.memref_squeeze %dma_start3A_29 : memref<1x128xi32, #tpu.memory_space<vmem>> -> memref<128xi32, #tpu.memory_space<vmem>>
    %dma_start3A_31 = arith.constant 0 : i32
    %dma_start3A_32 = arith.constant 0 : i32
    %dma_start3A_33 = tpu.memref_slice %arg2[%dma_start3A_31, %dma_start3A_32] : memref<8192x64xf32, #tpu.memory_space<hbm>> -> memref<8192x64xf32, #tpu.memory_space<hbm>>
    tpu.enqueue_indirect_dma source(%dma_start3A_33 : memref<8192x64xf32, #tpu.memory_space<hbm>>) target(%dma_start3A_27 : memref<128x64xf32, #tpu.memory_space<vmem>>) offsets(%dma_start3A_30 : memref<128xi32, #tpu.memory_space<vmem>>) semaphore(%arg7 : memref<!tpu.dma_semaphore, #tpu.memory_space<semaphore_mem>>)
    %dma_start3A_34 = arith.constant 3 : i32
    %dma_start3A_35 = arith.constant 384 : i32
    %dma_start3A_36 = arith.constant 0 : i32
    %dma_start3A_37 = tpu.memref_slice %arg6[%dma_start3A_35, %dma_start3A_36] : memref<512x64xf32, #tpu.memory_space<vmem>> -> memref<128x64xf32, #tpu.memory_space<vmem>>
    %dma_start3A_38 = arith.constant 0 : i32
    %dma_start3A_39 = tpu.memref_slice %arg5[%dma_start3A_34, %dma_start3A_38] : memref<4x128xi32, #tpu.memory_space<vmem>> -> memref<1x128xi32, #tpu.memory_space<vmem>>
    %dma_start3A_40 = tpu.memref_squeeze %dma_start3A_39 : memref<1x128xi32, #tpu.memory_space<vmem>> -> memref<128xi32, #tpu.memory_space<vmem>>
    %dma_start3A_41 = arith.constant 0 : i32
    %dma_start3A_42 = arith.constant 0 : i32
    %dma_start3A_43 = tpu.memref_slice %arg2[%dma_start3A_41, %dma_start3A_42] : memref<8192x64xf32, #tpu.memory_space<hbm>> -> memref<8192x64xf32, #tpu.memory_space<hbm>>
    tpu.enqueue_indirect_dma source(%dma_start3A_43 : memref<8192x64xf32, #tpu.memory_space<hbm>>) target(%dma_start3A_37 : memref<128x64xf32, #tpu.memory_space<vmem>>) offsets(%dma_start3A_40 : memref<128xi32, #tpu.memory_space<vmem>>) semaphore(%arg7 : memref<!tpu.dma_semaphore, #tpu.memory_space<semaphore_mem>>)
    %dma_wait3A = arith.constant 0 : i32
    %dma_wait3A_44 = arith.constant 0 : i32
    %dma_wait3A_45 = arith.constant 0 : i32
    %dma_wait3A_46 = tpu.memref_slice %arg6[%dma_wait3A_44, %dma_wait3A_45] : memref<512x64xf32, #tpu.memory_space<vmem>> -> memref<128x64xf32, #tpu.memory_space<vmem>>
    %dma_wait3A_47 = arith.constant 0 : i32
    %dma_wait3A_48 = tpu.memref_slice %arg5[%dma_wait3A, %dma_wait3A_47] : memref<4x128xi32, #tpu.memory_space<vmem>> -> memref<1x128xi32, #tpu.memory_space<vmem>>
    %dma_wait3A_49 = tpu.memref_squeeze %dma_wait3A_48 : memref<1x128xi32, #tpu.memory_space<vmem>> -> memref<128xi32, #tpu.memory_space<vmem>>
    %dma_wait3A_50 = arith.constant 0 : i32
    %dma_wait3A_51 = arith.constant 0 : i32
    %dma_wait3A_52 = tpu.memref_slice %arg2[%dma_wait3A_50, %dma_wait3A_51] : memref<8192x64xf32, #tpu.memory_space<hbm>> -> memref<8192x64xf32, #tpu.memory_space<hbm>>
    tpu.wait_indirect_dma semaphore(%arg7 : memref<!tpu.dma_semaphore, #tpu.memory_space<semaphore_mem>>) src(%dma_wait3A_52 : memref<8192x64xf32, #tpu.memory_space<hbm>>) dst(%dma_wait3A_46 : memref<128x64xf32, #tpu.memory_space<vmem>>)
    %dma_wait3A_53 = arith.constant 0 : i32
    %dma_wait3A_54 = arith.constant 0 : i32
    %dma_wait3A_55 = arith.constant 0 : i32
    %dma_wait3A_56 = tpu.memref_slice %arg6[%dma_wait3A_54, %dma_wait3A_55] : memref<512x64xf32, #tpu.memory_space<vmem>> -> memref<128x64xf32, #tpu.memory_space<vmem>>
    %dma_wait3A_57 = arith.constant 0 : i32
    %dma_wait3A_58 = tpu.memref_slice %arg5[%dma_wait3A_53, %dma_wait3A_57] : memref<4x128xi32, #tpu.memory_space<vmem>> -> memref<1x128xi32, #tpu.memory_space<vmem>>
    %dma_wait3A_59 = tpu.memref_squeeze %dma_wait3A_58 : memref<1x128xi32, #tpu.memory_space<vmem>> -> memref<128xi32, #tpu.memory_space<vmem>>
    %dma_wait3A_60 = arith.constant 0 : i32
    %dma_wait3A_61 = arith.constant 0 : i32
    %dma_wait3A_62 = tpu.memref_slice %arg2[%dma_wait3A_60, %dma_wait3A_61] : memref<8192x64xf32, #tpu.memory_space<hbm>> -> memref<8192x64xf32, #tpu.memory_space<hbm>>
    tpu.wait_indirect_dma semaphore(%arg7 : memref<!tpu.dma_semaphore, #tpu.memory_space<semaphore_mem>>) src(%dma_wait3A_62 : memref<8192x64xf32, #tpu.memory_space<hbm>>) dst(%dma_wait3A_56 : memref<128x64xf32, #tpu.memory_space<vmem>>)
    %dma_wait3A_63 = arith.constant 0 : i32
    %dma_wait3A_64 = arith.constant 0 : i32
    %dma_wait3A_65 = arith.constant 0 : i32
    %dma_wait3A_66 = tpu.memref_slice %arg6[%dma_wait3A_64, %dma_wait3A_65] : memref<512x64xf32, #tpu.memory_space<vmem>> -> memref<128x64xf32, #tpu.memory_space<vmem>>
    %dma_wait3A_67 = arith.constant 0 : i32
    %dma_wait3A_68 = tpu.memref_slice %arg5[%dma_wait3A_63, %dma_wait3A_67] : memref<4x128xi32, #tpu.memory_space<vmem>> -> memref<1x128xi32, #tpu.memory_space<vmem>>
    %dma_wait3A_69 = tpu.memref_squeeze %dma_wait3A_68 : memref<1x128xi32, #tpu.memory_space<vmem>> -> memref<128xi32, #tpu.memory_space<vmem>>
    %dma_wait3A_70 = arith.constant 0 : i32
    %dma_wait3A_71 = arith.constant 0 : i32
    %dma_wait3A_72 = tpu.memref_slice %arg2[%dma_wait3A_70, %dma_wait3A_71] : memref<8192x64xf32, #tpu.memory_space<hbm>> -> memref<8192x64xf32, #tpu.memory_space<hbm>>
    tpu.wait_indirect_dma semaphore(%arg7 : memref<!tpu.dma_semaphore, #tpu.memory_space<semaphore_mem>>) src(%dma_wait3A_72 : memref<8192x64xf32, #tpu.memory_space<hbm>>) dst(%dma_wait3A_66 : memref<128x64xf32, #tpu.memory_space<vmem>>)
    %dma_wait3A_73 = arith.constant 0 : i32
    %dma_wait3A_74 = arith.constant 0 : i32
    %dma_wait3A_75 = arith.constant 0 : i32
    %dma_wait3A_76 = tpu.memref_slice %arg6[%dma_wait3A_74, %dma_wait3A_75] : memref<512x64xf32, #tpu.memory_space<vmem>> -> memref<128x64xf32, #tpu.memory_space<vmem>>
    %dma_wait3A_77 = arith.constant 0 : i32
    %dma_wait3A_78 = tpu.memref_slice %arg5[%dma_wait3A_73, %dma_wait3A_77] : memref<4x128xi32, #tpu.memory_space<vmem>> -> memref<1x128xi32, #tpu.memory_space<vmem>>
    %dma_wait3A_79 = tpu.memref_squeeze %dma_wait3A_78 : memref<1x128xi32, #tpu.memory_space<vmem>> -> memref<128xi32, #tpu.memory_space<vmem>>
    %dma_wait3A_80 = arith.constant 0 : i32
    %dma_wait3A_81 = arith.constant 0 : i32
    %dma_wait3A_82 = tpu.memref_slice %arg2[%dma_wait3A_80, %dma_wait3A_81] : memref<8192x64xf32, #tpu.memory_space<hbm>> -> memref<8192x64xf32, #tpu.memory_space<hbm>>
    tpu.wait_indirect_dma semaphore(%arg7 : memref<!tpu.dma_semaphore, #tpu.memory_space<semaphore_mem>>) src(%dma_wait3A_82 : memref<8192x64xf32, #tpu.memory_space<hbm>>) dst(%dma_wait3A_76 : memref<128x64xf32, #tpu.memory_space<vmem>>)
    "tpu.region"() ({
      %run_scoped3A = tpu.sem_alloc : memref<!tpu.dma_semaphore, #tpu.memory_space<semaphore_mem>>
      %dma_start3A_83 = arith.constant 0 : i32
      %dma_start3A_84 = tpu.memref_slice %arg4[%mul3A_2, %dma_start3A_83] : memref<16384x64xf32, #tpu.memory_space<hbm>> -> memref<512x64xf32, #tpu.memory_space<hbm>>
      %dma_start3A_85 = arith.constant 0 : i32
      %dma_start3A_86 = tpu.memref_slice %arg4[%mul3A_2, %dma_start3A_85] : memref<16384x64xf32, #tpu.memory_space<hbm>> -> memref<512x64xf32, #tpu.memory_space<hbm>>
      tpu.enqueue_dma source(%arg6 : memref<512x64xf32, #tpu.memory_space<vmem>>) target(%dma_start3A_86 : memref<512x64xf32, #tpu.memory_space<hbm>>) target_semaphore(%run_scoped3A : memref<!tpu.dma_semaphore, #tpu.memory_space<semaphore_mem>>)
      %dma_wait3A_87 = arith.constant 0 : i32
      %dma_wait3A_88 = tpu.memref_slice %arg4[%mul3A_2, %dma_wait3A_87] : memref<16384x64xf32, #tpu.memory_space<hbm>> -> memref<512x64xf32, #tpu.memory_space<hbm>>
      %dma_wait3A_89 = arith.constant 0 : i32
      %dma_wait3A_90 = tpu.memref_slice %arg4[%mul3A_2, %dma_wait3A_89] : memref<16384x64xf32, #tpu.memory_space<hbm>> -> memref<512x64xf32, #tpu.memory_space<hbm>>
      tpu.wait_dma2 semaphore(%run_scoped3A : memref<!tpu.dma_semaphore, #tpu.memory_space<semaphore_mem>>) src(%arg6 : memref<512x64xf32, #tpu.memory_space<vmem>>) dst(%dma_wait3A_90 : memref<512x64xf32, #tpu.memory_space<hbm>>)
      tpu.yield
    }) : () -> ()
    return
  }
}

module attributes {stable_mosaic.version = 14 : i64} {
  func.func @_argmin_body(%arg0: i32, %arg1: memref<2048x64xf32, #tpu.memory_space<vmem>>, %arg2: memref<64x8192xf32, #tpu.memory_space<vmem>>, %arg3: memref<1x8192xf32, #tpu.memory_space<vmem>>, %arg4: memref<1x8192xf32, #tpu.memory_space<vmem>>, %arg5: memref<16x128xi32, #tpu.memory_space<vmem>>, %arg6: memref<1x1xf32, #tpu.memory_space<vmem>>) attributes {dimension_semantics = [#tpu.dimension_semantics<arbitrary>], iteration_bounds = array<i64: 8>, scalar_prefetch = 0 : i64, scratch_operands = 0 : i64, tpu.core_type = #tpu.core_type<tc>, window_params = [{transform_indices = @transform_0, window_bounds = array<i64: 2048, 64>}, {pipeline_mode = #tpu.pipeline_mode<synchronous>, transform_indices = @transform_1, window_bounds = array<i64: 64, 8192>}, {pipeline_mode = #tpu.pipeline_mode<synchronous>, transform_indices = @transform_2, window_bounds = array<i64: 1, 8192>}, {pipeline_mode = #tpu.pipeline_mode<synchronous>, transform_indices = @transform_3, window_bounds = array<i64: 1, 8192>}, {transform_indices = @transform_4, window_bounds = array<i64: 16, 128>}, {pipeline_mode = #tpu.pipeline_mode<synchronous>, transform_indices = @transform_5, window_bounds = array<i64: 1, 1>}]} {
    %get3A = arith.constant 0 : index
    %get3A_0 = arith.constant 0 : index
    %get3A_1 = vector.load %arg1[%get3A, %get3A_0] : memref<2048x64xf32, #tpu.memory_space<vmem>>, vector<2048x64xf32>
    %mul3A = arith.mulf %get3A_1, %get3A_1 : vector<2048x64xf32>
    %reduce_sum3A = arith.constant dense<0.000000e+00> : vector<2048xf32>
    %reduce_sum3A_2 = vector.multi_reduction <add>, %mul3A, %reduce_sum3A [1] : vector<2048x64xf32> to vector<2048xf32>
    %broadcast_in_dim3A = vector.shape_cast %reduce_sum3A_2 : vector<2048xf32> to vector<2048x1xf32>
    %get3A_3 = arith.constant 0 : index
    %get3A_4 = arith.constant 0 : index
    %get3A_5 = vector.load %arg2[%get3A_3, %get3A_4] : memref<64x8192xf32, #tpu.memory_space<vmem>>, vector<64x1024xf32>
    %dot_general3A = arith.constant dense<0.000000e+00> : vector<2048x1024xf32>
    %dot_general3A_6 = tpu.matmul %get3A_1, %get3A_5, %dot_general3A {dimension_numbers = #tpu.dot_dimension_numbers<[1], [0], [0], [1], [0, 0, 1, 1], [], []>, transpose_lhs_hint = false} : vector<2048x64xf32>, vector<64x1024xf32>, vector<2048x1024xf32> -> vector<2048x1024xf32>
    %get3A_7 = arith.constant 0 : index
    %get3A_8 = arith.constant 0 : index
    %get3A_9 = vector.load %arg3[%get3A_7, %get3A_8] : memref<1x8192xf32, #tpu.memory_space<vmem>>, vector<1x1024xf32>
    %add3A = vector.broadcast %broadcast_in_dim3A : vector<2048x1xf32> to vector<2048x1024xf32>
    %add3A_10 = vector.broadcast %get3A_9 : vector<1x1024xf32> to vector<2048x1024xf32>
    %add3A_11 = arith.addf %add3A, %add3A_10 : vector<2048x1024xf32>
    %sub3A = arith.subf %add3A_11, %dot_general3A_6 : vector<2048x1024xf32>
    %reduce_min3A = arith.constant dense<0x7F800000> : vector<2048xf32>
    %reduce_min3A_12 = vector.multi_reduction <minimumf>, %sub3A, %reduce_min3A [1] : vector<2048x1024xf32> to vector<2048xf32>
    %broadcast_in_dim3A_13 = vector.shape_cast %reduce_min3A_12 : vector<2048xf32> to vector<2048x1xf32>
    %eq3A = vector.broadcast %broadcast_in_dim3A_13 : vector<2048x1xf32> to vector<2048x1024xf32>
    %eq3A_14 = arith.cmpf oeq, %sub3A, %eq3A : vector<2048x1024xf32>
    %get3A_15 = arith.constant 0 : index
    %get3A_16 = arith.constant 0 : index
    %get3A_17 = vector.load %arg4[%get3A_15, %get3A_16] : memref<1x8192xf32, #tpu.memory_space<vmem>>, vector<1x1024xf32>
    %jit3A = arith.constant 3.000000e+38 : f32
    %broadcast_in_dim3A_18 = vector.shape_cast %get3A_17 : vector<1x1024xf32> to vector<1x1024xf32>
    %broadcast_in_dim3A_19 = vector.broadcast %broadcast_in_dim3A_18 : vector<1x1024xf32> to vector<2048x1024xf32>
    %broadcast_in_dim3A_20 = vector.broadcast %jit3A : f32 to vector<2048x1024xf32>
    %select_n3A = arith.select %eq3A_14, %broadcast_in_dim3A_19, %broadcast_in_dim3A_20 : vector<2048x1024xi1>, vector<2048x1024xf32>
    %reduce_min3A_21 = arith.constant dense<0x7F800000> : vector<2048xf32>
    %reduce_min3A_22 = vector.multi_reduction <minimumf>, %select_n3A, %reduce_min3A_21 [1] : vector<2048x1024xf32> to vector<2048xf32>
    %broadcast_in_dim3A_23 = vector.shape_cast %reduce_min3A_22 : vector<2048xf32> to vector<2048x1xf32>
    %get3A_24 = arith.constant 0 : index
    %get3A_25 = arith.constant 1024 : index
    %get3A_26 = vector.load %arg2[%get3A_24, %get3A_25] : memref<64x8192xf32, #tpu.memory_space<vmem>>, vector<64x1024xf32>
    %dot_general3A_27 = arith.constant dense<0.000000e+00> : vector<2048x1024xf32>
    %dot_general3A_28 = tpu.matmul %get3A_1, %get3A_26, %dot_general3A_27 {dimension_numbers = #tpu.dot_dimension_numbers<[1], [0], [0], [1], [0, 0, 1, 1], [], []>, transpose_lhs_hint = false} : vector<2048x64xf32>, vector<64x1024xf32>, vector<2048x1024xf32> -> vector<2048x1024xf32>
    %get3A_29 = arith.constant 0 : index
    %get3A_30 = arith.constant 1024 : index
    %get3A_31 = vector.load %arg3[%get3A_29, %get3A_30] : memref<1x8192xf32, #tpu.memory_space<vmem>>, vector<1x1024xf32>
    %add3A_32 = vector.broadcast %broadcast_in_dim3A : vector<2048x1xf32> to vector<2048x1024xf32>
    %add3A_33 = vector.broadcast %get3A_31 : vector<1x1024xf32> to vector<2048x1024xf32>
    %add3A_34 = arith.addf %add3A_32, %add3A_33 : vector<2048x1024xf32>
    %sub3A_35 = arith.subf %add3A_34, %dot_general3A_28 : vector<2048x1024xf32>
    %reduce_min3A_36 = arith.constant dense<0x7F800000> : vector<2048xf32>
    %reduce_min3A_37 = vector.multi_reduction <minimumf>, %sub3A_35, %reduce_min3A_36 [1] : vector<2048x1024xf32> to vector<2048xf32>
    %broadcast_in_dim3A_38 = vector.shape_cast %reduce_min3A_37 : vector<2048xf32> to vector<2048x1xf32>
    %eq3A_39 = vector.broadcast %broadcast_in_dim3A_38 : vector<2048x1xf32> to vector<2048x1024xf32>
    %eq3A_40 = arith.cmpf oeq, %sub3A_35, %eq3A_39 : vector<2048x1024xf32>
    %get3A_41 = arith.constant 0 : index
    %get3A_42 = arith.constant 1024 : index
    %get3A_43 = vector.load %arg4[%get3A_41, %get3A_42] : memref<1x8192xf32, #tpu.memory_space<vmem>>, vector<1x1024xf32>
    %jit3A_44 = arith.constant 3.000000e+38 : f32
    %broadcast_in_dim3A_45 = vector.shape_cast %get3A_43 : vector<1x1024xf32> to vector<1x1024xf32>
    %broadcast_in_dim3A_46 = vector.broadcast %broadcast_in_dim3A_45 : vector<1x1024xf32> to vector<2048x1024xf32>
    %broadcast_in_dim3A_47 = vector.broadcast %jit3A_44 : f32 to vector<2048x1024xf32>
    %select_n3A_48 = arith.select %eq3A_40, %broadcast_in_dim3A_46, %broadcast_in_dim3A_47 : vector<2048x1024xi1>, vector<2048x1024xf32>
    %reduce_min3A_49 = arith.constant dense<0x7F800000> : vector<2048xf32>
    %reduce_min3A_50 = vector.multi_reduction <minimumf>, %select_n3A_48, %reduce_min3A_49 [1] : vector<2048x1024xf32> to vector<2048xf32>
    %broadcast_in_dim3A_51 = vector.shape_cast %reduce_min3A_50 : vector<2048xf32> to vector<2048x1xf32>
    %lt3A = arith.cmpf olt, %broadcast_in_dim3A_38, %broadcast_in_dim3A_13 : vector<2048x1xf32>
    %select_n3A_52 = arith.select %lt3A, %broadcast_in_dim3A_51, %broadcast_in_dim3A_23 : vector<2048x1xi1>, vector<2048x1xf32>
    %min3A = arith.minimumf %broadcast_in_dim3A_38, %broadcast_in_dim3A_13 : vector<2048x1xf32>
    %get3A_53 = arith.constant 0 : index
    %get3A_54 = arith.constant 2048 : index
    %get3A_55 = vector.load %arg2[%get3A_53, %get3A_54] : memref<64x8192xf32, #tpu.memory_space<vmem>>, vector<64x1024xf32>
    %dot_general3A_56 = arith.constant dense<0.000000e+00> : vector<2048x1024xf32>
    %dot_general3A_57 = tpu.matmul %get3A_1, %get3A_55, %dot_general3A_56 {dimension_numbers = #tpu.dot_dimension_numbers<[1], [0], [0], [1], [0, 0, 1, 1], [], []>, transpose_lhs_hint = false} : vector<2048x64xf32>, vector<64x1024xf32>, vector<2048x1024xf32> -> vector<2048x1024xf32>
    %get3A_58 = arith.constant 0 : index
    %get3A_59 = arith.constant 2048 : index
    %get3A_60 = vector.load %arg3[%get3A_58, %get3A_59] : memref<1x8192xf32, #tpu.memory_space<vmem>>, vector<1x1024xf32>
    %add3A_61 = vector.broadcast %broadcast_in_dim3A : vector<2048x1xf32> to vector<2048x1024xf32>
    %add3A_62 = vector.broadcast %get3A_60 : vector<1x1024xf32> to vector<2048x1024xf32>
    %add3A_63 = arith.addf %add3A_61, %add3A_62 : vector<2048x1024xf32>
    %sub3A_64 = arith.subf %add3A_63, %dot_general3A_57 : vector<2048x1024xf32>
    %reduce_min3A_65 = arith.constant dense<0x7F800000> : vector<2048xf32>
    %reduce_min3A_66 = vector.multi_reduction <minimumf>, %sub3A_64, %reduce_min3A_65 [1] : vector<2048x1024xf32> to vector<2048xf32>
    %broadcast_in_dim3A_67 = vector.shape_cast %reduce_min3A_66 : vector<2048xf32> to vector<2048x1xf32>
    %eq3A_68 = vector.broadcast %broadcast_in_dim3A_67 : vector<2048x1xf32> to vector<2048x1024xf32>
    %eq3A_69 = arith.cmpf oeq, %sub3A_64, %eq3A_68 : vector<2048x1024xf32>
    %get3A_70 = arith.constant 0 : index
    %get3A_71 = arith.constant 2048 : index
    %get3A_72 = vector.load %arg4[%get3A_70, %get3A_71] : memref<1x8192xf32, #tpu.memory_space<vmem>>, vector<1x1024xf32>
    %jit3A_73 = arith.constant 3.000000e+38 : f32
    %broadcast_in_dim3A_74 = vector.shape_cast %get3A_72 : vector<1x1024xf32> to vector<1x1024xf32>
    %broadcast_in_dim3A_75 = vector.broadcast %broadcast_in_dim3A_74 : vector<1x1024xf32> to vector<2048x1024xf32>
    %broadcast_in_dim3A_76 = vector.broadcast %jit3A_73 : f32 to vector<2048x1024xf32>
    %select_n3A_77 = arith.select %eq3A_69, %broadcast_in_dim3A_75, %broadcast_in_dim3A_76 : vector<2048x1024xi1>, vector<2048x1024xf32>
    %reduce_min3A_78 = arith.constant dense<0x7F800000> : vector<2048xf32>
    %reduce_min3A_79 = vector.multi_reduction <minimumf>, %select_n3A_77, %reduce_min3A_78 [1] : vector<2048x1024xf32> to vector<2048xf32>
    %broadcast_in_dim3A_80 = vector.shape_cast %reduce_min3A_79 : vector<2048xf32> to vector<2048x1xf32>
    %lt3A_81 = arith.cmpf olt, %broadcast_in_dim3A_67, %min3A : vector<2048x1xf32>
    %select_n3A_82 = arith.select %lt3A_81, %broadcast_in_dim3A_80, %select_n3A_52 : vector<2048x1xi1>, vector<2048x1xf32>
    %min3A_83 = arith.minimumf %broadcast_in_dim3A_67, %min3A : vector<2048x1xf32>
    %get3A_84 = arith.constant 0 : index
    %get3A_85 = arith.constant 3072 : index
    %get3A_86 = vector.load %arg2[%get3A_84, %get3A_85] : memref<64x8192xf32, #tpu.memory_space<vmem>>, vector<64x1024xf32>
    %dot_general3A_87 = arith.constant dense<0.000000e+00> : vector<2048x1024xf32>
    %dot_general3A_88 = tpu.matmul %get3A_1, %get3A_86, %dot_general3A_87 {dimension_numbers = #tpu.dot_dimension_numbers<[1], [0], [0], [1], [0, 0, 1, 1], [], []>, transpose_lhs_hint = false} : vector<2048x64xf32>, vector<64x1024xf32>, vector<2048x1024xf32> -> vector<2048x1024xf32>
    %get3A_89 = arith.constant 0 : index
    %get3A_90 = arith.constant 3072 : index
    %get3A_91 = vector.load %arg3[%get3A_89, %get3A_90] : memref<1x8192xf32, #tpu.memory_space<vmem>>, vector<1x1024xf32>
    %add3A_92 = vector.broadcast %broadcast_in_dim3A : vector<2048x1xf32> to vector<2048x1024xf32>
    %add3A_93 = vector.broadcast %get3A_91 : vector<1x1024xf32> to vector<2048x1024xf32>
    %add3A_94 = arith.addf %add3A_92, %add3A_93 : vector<2048x1024xf32>
    %sub3A_95 = arith.subf %add3A_94, %dot_general3A_88 : vector<2048x1024xf32>
    %reduce_min3A_96 = arith.constant dense<0x7F800000> : vector<2048xf32>
    %reduce_min3A_97 = vector.multi_reduction <minimumf>, %sub3A_95, %reduce_min3A_96 [1] : vector<2048x1024xf32> to vector<2048xf32>
    %broadcast_in_dim3A_98 = vector.shape_cast %reduce_min3A_97 : vector<2048xf32> to vector<2048x1xf32>
    %eq3A_99 = vector.broadcast %broadcast_in_dim3A_98 : vector<2048x1xf32> to vector<2048x1024xf32>
    %eq3A_100 = arith.cmpf oeq, %sub3A_95, %eq3A_99 : vector<2048x1024xf32>
    %get3A_101 = arith.constant 0 : index
    %get3A_102 = arith.constant 3072 : index
    %get3A_103 = vector.load %arg4[%get3A_101, %get3A_102] : memref<1x8192xf32, #tpu.memory_space<vmem>>, vector<1x1024xf32>
    %jit3A_104 = arith.constant 3.000000e+38 : f32
    %broadcast_in_dim3A_105 = vector.shape_cast %get3A_103 : vector<1x1024xf32> to vector<1x1024xf32>
    %broadcast_in_dim3A_106 = vector.broadcast %broadcast_in_dim3A_105 : vector<1x1024xf32> to vector<2048x1024xf32>
    %broadcast_in_dim3A_107 = vector.broadcast %jit3A_104 : f32 to vector<2048x1024xf32>
    %select_n3A_108 = arith.select %eq3A_100, %broadcast_in_dim3A_106, %broadcast_in_dim3A_107 : vector<2048x1024xi1>, vector<2048x1024xf32>
    %reduce_min3A_109 = arith.constant dense<0x7F800000> : vector<2048xf32>
    %reduce_min3A_110 = vector.multi_reduction <minimumf>, %select_n3A_108, %reduce_min3A_109 [1] : vector<2048x1024xf32> to vector<2048xf32>
    %broadcast_in_dim3A_111 = vector.shape_cast %reduce_min3A_110 : vector<2048xf32> to vector<2048x1xf32>
    %lt3A_112 = arith.cmpf olt, %broadcast_in_dim3A_98, %min3A_83 : vector<2048x1xf32>
    %select_n3A_113 = arith.select %lt3A_112, %broadcast_in_dim3A_111, %select_n3A_82 : vector<2048x1xi1>, vector<2048x1xf32>
    %min3A_114 = arith.minimumf %broadcast_in_dim3A_98, %min3A_83 : vector<2048x1xf32>
    %get3A_115 = arith.constant 0 : index
    %get3A_116 = arith.constant 4096 : index
    %get3A_117 = vector.load %arg2[%get3A_115, %get3A_116] : memref<64x8192xf32, #tpu.memory_space<vmem>>, vector<64x1024xf32>
    %dot_general3A_118 = arith.constant dense<0.000000e+00> : vector<2048x1024xf32>
    %dot_general3A_119 = tpu.matmul %get3A_1, %get3A_117, %dot_general3A_118 {dimension_numbers = #tpu.dot_dimension_numbers<[1], [0], [0], [1], [0, 0, 1, 1], [], []>, transpose_lhs_hint = false} : vector<2048x64xf32>, vector<64x1024xf32>, vector<2048x1024xf32> -> vector<2048x1024xf32>
    %get3A_120 = arith.constant 0 : index
    %get3A_121 = arith.constant 4096 : index
    %get3A_122 = vector.load %arg3[%get3A_120, %get3A_121] : memref<1x8192xf32, #tpu.memory_space<vmem>>, vector<1x1024xf32>
    %add3A_123 = vector.broadcast %broadcast_in_dim3A : vector<2048x1xf32> to vector<2048x1024xf32>
    %add3A_124 = vector.broadcast %get3A_122 : vector<1x1024xf32> to vector<2048x1024xf32>
    %add3A_125 = arith.addf %add3A_123, %add3A_124 : vector<2048x1024xf32>
    %sub3A_126 = arith.subf %add3A_125, %dot_general3A_119 : vector<2048x1024xf32>
    %reduce_min3A_127 = arith.constant dense<0x7F800000> : vector<2048xf32>
    %reduce_min3A_128 = vector.multi_reduction <minimumf>, %sub3A_126, %reduce_min3A_127 [1] : vector<2048x1024xf32> to vector<2048xf32>
    %broadcast_in_dim3A_129 = vector.shape_cast %reduce_min3A_128 : vector<2048xf32> to vector<2048x1xf32>
    %eq3A_130 = vector.broadcast %broadcast_in_dim3A_129 : vector<2048x1xf32> to vector<2048x1024xf32>
    %eq3A_131 = arith.cmpf oeq, %sub3A_126, %eq3A_130 : vector<2048x1024xf32>
    %get3A_132 = arith.constant 0 : index
    %get3A_133 = arith.constant 4096 : index
    %get3A_134 = vector.load %arg4[%get3A_132, %get3A_133] : memref<1x8192xf32, #tpu.memory_space<vmem>>, vector<1x1024xf32>
    %jit3A_135 = arith.constant 3.000000e+38 : f32
    %broadcast_in_dim3A_136 = vector.shape_cast %get3A_134 : vector<1x1024xf32> to vector<1x1024xf32>
    %broadcast_in_dim3A_137 = vector.broadcast %broadcast_in_dim3A_136 : vector<1x1024xf32> to vector<2048x1024xf32>
    %broadcast_in_dim3A_138 = vector.broadcast %jit3A_135 : f32 to vector<2048x1024xf32>
    %select_n3A_139 = arith.select %eq3A_131, %broadcast_in_dim3A_137, %broadcast_in_dim3A_138 : vector<2048x1024xi1>, vector<2048x1024xf32>
    %reduce_min3A_140 = arith.constant dense<0x7F800000> : vector<2048xf32>
    %reduce_min3A_141 = vector.multi_reduction <minimumf>, %select_n3A_139, %reduce_min3A_140 [1] : vector<2048x1024xf32> to vector<2048xf32>
    %broadcast_in_dim3A_142 = vector.shape_cast %reduce_min3A_141 : vector<2048xf32> to vector<2048x1xf32>
    %lt3A_143 = arith.cmpf olt, %broadcast_in_dim3A_129, %min3A_114 : vector<2048x1xf32>
    %select_n3A_144 = arith.select %lt3A_143, %broadcast_in_dim3A_142, %select_n3A_113 : vector<2048x1xi1>, vector<2048x1xf32>
    %min3A_145 = arith.minimumf %broadcast_in_dim3A_129, %min3A_114 : vector<2048x1xf32>
    %get3A_146 = arith.constant 0 : index
    %get3A_147 = arith.constant 5120 : index
    %get3A_148 = vector.load %arg2[%get3A_146, %get3A_147] : memref<64x8192xf32, #tpu.memory_space<vmem>>, vector<64x1024xf32>
    %dot_general3A_149 = arith.constant dense<0.000000e+00> : vector<2048x1024xf32>
    %dot_general3A_150 = tpu.matmul %get3A_1, %get3A_148, %dot_general3A_149 {dimension_numbers = #tpu.dot_dimension_numbers<[1], [0], [0], [1], [0, 0, 1, 1], [], []>, transpose_lhs_hint = false} : vector<2048x64xf32>, vector<64x1024xf32>, vector<2048x1024xf32> -> vector<2048x1024xf32>
    %get3A_151 = arith.constant 0 : index
    %get3A_152 = arith.constant 5120 : index
    %get3A_153 = vector.load %arg3[%get3A_151, %get3A_152] : memref<1x8192xf32, #tpu.memory_space<vmem>>, vector<1x1024xf32>
    %add3A_154 = vector.broadcast %broadcast_in_dim3A : vector<2048x1xf32> to vector<2048x1024xf32>
    %add3A_155 = vector.broadcast %get3A_153 : vector<1x1024xf32> to vector<2048x1024xf32>
    %add3A_156 = arith.addf %add3A_154, %add3A_155 : vector<2048x1024xf32>
    %sub3A_157 = arith.subf %add3A_156, %dot_general3A_150 : vector<2048x1024xf32>
    %reduce_min3A_158 = arith.constant dense<0x7F800000> : vector<2048xf32>
    %reduce_min3A_159 = vector.multi_reduction <minimumf>, %sub3A_157, %reduce_min3A_158 [1] : vector<2048x1024xf32> to vector<2048xf32>
    %broadcast_in_dim3A_160 = vector.shape_cast %reduce_min3A_159 : vector<2048xf32> to vector<2048x1xf32>
    %eq3A_161 = vector.broadcast %broadcast_in_dim3A_160 : vector<2048x1xf32> to vector<2048x1024xf32>
    %eq3A_162 = arith.cmpf oeq, %sub3A_157, %eq3A_161 : vector<2048x1024xf32>
    %get3A_163 = arith.constant 0 : index
    %get3A_164 = arith.constant 5120 : index
    %get3A_165 = vector.load %arg4[%get3A_163, %get3A_164] : memref<1x8192xf32, #tpu.memory_space<vmem>>, vector<1x1024xf32>
    %jit3A_166 = arith.constant 3.000000e+38 : f32
    %broadcast_in_dim3A_167 = vector.shape_cast %get3A_165 : vector<1x1024xf32> to vector<1x1024xf32>
    %broadcast_in_dim3A_168 = vector.broadcast %broadcast_in_dim3A_167 : vector<1x1024xf32> to vector<2048x1024xf32>
    %broadcast_in_dim3A_169 = vector.broadcast %jit3A_166 : f32 to vector<2048x1024xf32>
    %select_n3A_170 = arith.select %eq3A_162, %broadcast_in_dim3A_168, %broadcast_in_dim3A_169 : vector<2048x1024xi1>, vector<2048x1024xf32>
    %reduce_min3A_171 = arith.constant dense<0x7F800000> : vector<2048xf32>
    %reduce_min3A_172 = vector.multi_reduction <minimumf>, %select_n3A_170, %reduce_min3A_171 [1] : vector<2048x1024xf32> to vector<2048xf32>
    %broadcast_in_dim3A_173 = vector.shape_cast %reduce_min3A_172 : vector<2048xf32> to vector<2048x1xf32>
    %lt3A_174 = arith.cmpf olt, %broadcast_in_dim3A_160, %min3A_145 : vector<2048x1xf32>
    %select_n3A_175 = arith.select %lt3A_174, %broadcast_in_dim3A_173, %select_n3A_144 : vector<2048x1xi1>, vector<2048x1xf32>
    %min3A_176 = arith.minimumf %broadcast_in_dim3A_160, %min3A_145 : vector<2048x1xf32>
    %get3A_177 = arith.constant 0 : index
    %get3A_178 = arith.constant 6144 : index
    %get3A_179 = vector.load %arg2[%get3A_177, %get3A_178] : memref<64x8192xf32, #tpu.memory_space<vmem>>, vector<64x1024xf32>
    %dot_general3A_180 = arith.constant dense<0.000000e+00> : vector<2048x1024xf32>
    %dot_general3A_181 = tpu.matmul %get3A_1, %get3A_179, %dot_general3A_180 {dimension_numbers = #tpu.dot_dimension_numbers<[1], [0], [0], [1], [0, 0, 1, 1], [], []>, transpose_lhs_hint = false} : vector<2048x64xf32>, vector<64x1024xf32>, vector<2048x1024xf32> -> vector<2048x1024xf32>
    %get3A_182 = arith.constant 0 : index
    %get3A_183 = arith.constant 6144 : index
    %get3A_184 = vector.load %arg3[%get3A_182, %get3A_183] : memref<1x8192xf32, #tpu.memory_space<vmem>>, vector<1x1024xf32>
    %add3A_185 = vector.broadcast %broadcast_in_dim3A : vector<2048x1xf32> to vector<2048x1024xf32>
    %add3A_186 = vector.broadcast %get3A_184 : vector<1x1024xf32> to vector<2048x1024xf32>
    %add3A_187 = arith.addf %add3A_185, %add3A_186 : vector<2048x1024xf32>
    %sub3A_188 = arith.subf %add3A_187, %dot_general3A_181 : vector<2048x1024xf32>
    %reduce_min3A_189 = arith.constant dense<0x7F800000> : vector<2048xf32>
    %reduce_min3A_190 = vector.multi_reduction <minimumf>, %sub3A_188, %reduce_min3A_189 [1] : vector<2048x1024xf32> to vector<2048xf32>
    %broadcast_in_dim3A_191 = vector.shape_cast %reduce_min3A_190 : vector<2048xf32> to vector<2048x1xf32>
    %eq3A_192 = vector.broadcast %broadcast_in_dim3A_191 : vector<2048x1xf32> to vector<2048x1024xf32>
    %eq3A_193 = arith.cmpf oeq, %sub3A_188, %eq3A_192 : vector<2048x1024xf32>
    %get3A_194 = arith.constant 0 : index
    %get3A_195 = arith.constant 6144 : index
    %get3A_196 = vector.load %arg4[%get3A_194, %get3A_195] : memref<1x8192xf32, #tpu.memory_space<vmem>>, vector<1x1024xf32>
    %jit3A_197 = arith.constant 3.000000e+38 : f32
    %broadcast_in_dim3A_198 = vector.shape_cast %get3A_196 : vector<1x1024xf32> to vector<1x1024xf32>
    %broadcast_in_dim3A_199 = vector.broadcast %broadcast_in_dim3A_198 : vector<1x1024xf32> to vector<2048x1024xf32>
    %broadcast_in_dim3A_200 = vector.broadcast %jit3A_197 : f32 to vector<2048x1024xf32>
    %select_n3A_201 = arith.select %eq3A_193, %broadcast_in_dim3A_199, %broadcast_in_dim3A_200 : vector<2048x1024xi1>, vector<2048x1024xf32>
    %reduce_min3A_202 = arith.constant dense<0x7F800000> : vector<2048xf32>
    %reduce_min3A_203 = vector.multi_reduction <minimumf>, %select_n3A_201, %reduce_min3A_202 [1] : vector<2048x1024xf32> to vector<2048xf32>
    %broadcast_in_dim3A_204 = vector.shape_cast %reduce_min3A_203 : vector<2048xf32> to vector<2048x1xf32>
    %lt3A_205 = arith.cmpf olt, %broadcast_in_dim3A_191, %min3A_176 : vector<2048x1xf32>
    %select_n3A_206 = arith.select %lt3A_205, %broadcast_in_dim3A_204, %select_n3A_175 : vector<2048x1xi1>, vector<2048x1xf32>
    %min3A_207 = arith.minimumf %broadcast_in_dim3A_191, %min3A_176 : vector<2048x1xf32>
    %get3A_208 = arith.constant 0 : index
    %get3A_209 = arith.constant 7168 : index
    %get3A_210 = vector.load %arg2[%get3A_208, %get3A_209] : memref<64x8192xf32, #tpu.memory_space<vmem>>, vector<64x1024xf32>
    %dot_general3A_211 = arith.constant dense<0.000000e+00> : vector<2048x1024xf32>
    %dot_general3A_212 = tpu.matmul %get3A_1, %get3A_210, %dot_general3A_211 {dimension_numbers = #tpu.dot_dimension_numbers<[1], [0], [0], [1], [0, 0, 1, 1], [], []>, transpose_lhs_hint = false} : vector<2048x64xf32>, vector<64x1024xf32>, vector<2048x1024xf32> -> vector<2048x1024xf32>
    %get3A_213 = arith.constant 0 : index
    %get3A_214 = arith.constant 7168 : index
    %get3A_215 = vector.load %arg3[%get3A_213, %get3A_214] : memref<1x8192xf32, #tpu.memory_space<vmem>>, vector<1x1024xf32>
    %add3A_216 = vector.broadcast %broadcast_in_dim3A : vector<2048x1xf32> to vector<2048x1024xf32>
    %add3A_217 = vector.broadcast %get3A_215 : vector<1x1024xf32> to vector<2048x1024xf32>
    %add3A_218 = arith.addf %add3A_216, %add3A_217 : vector<2048x1024xf32>
    %sub3A_219 = arith.subf %add3A_218, %dot_general3A_212 : vector<2048x1024xf32>
    %reduce_min3A_220 = arith.constant dense<0x7F800000> : vector<2048xf32>
    %reduce_min3A_221 = vector.multi_reduction <minimumf>, %sub3A_219, %reduce_min3A_220 [1] : vector<2048x1024xf32> to vector<2048xf32>
    %broadcast_in_dim3A_222 = vector.shape_cast %reduce_min3A_221 : vector<2048xf32> to vector<2048x1xf32>
    %eq3A_223 = vector.broadcast %broadcast_in_dim3A_222 : vector<2048x1xf32> to vector<2048x1024xf32>
    %eq3A_224 = arith.cmpf oeq, %sub3A_219, %eq3A_223 : vector<2048x1024xf32>
    %get3A_225 = arith.constant 0 : index
    %get3A_226 = arith.constant 7168 : index
    %get3A_227 = vector.load %arg4[%get3A_225, %get3A_226] : memref<1x8192xf32, #tpu.memory_space<vmem>>, vector<1x1024xf32>
    %jit3A_228 = arith.constant 3.000000e+38 : f32
    %broadcast_in_dim3A_229 = vector.shape_cast %get3A_227 : vector<1x1024xf32> to vector<1x1024xf32>
    %broadcast_in_dim3A_230 = vector.broadcast %broadcast_in_dim3A_229 : vector<1x1024xf32> to vector<2048x1024xf32>
    %broadcast_in_dim3A_231 = vector.broadcast %jit3A_228 : f32 to vector<2048x1024xf32>
    %select_n3A_232 = arith.select %eq3A_224, %broadcast_in_dim3A_230, %broadcast_in_dim3A_231 : vector<2048x1024xi1>, vector<2048x1024xf32>
    %reduce_min3A_233 = arith.constant dense<0x7F800000> : vector<2048xf32>
    %reduce_min3A_234 = vector.multi_reduction <minimumf>, %select_n3A_232, %reduce_min3A_233 [1] : vector<2048x1024xf32> to vector<2048xf32>
    %broadcast_in_dim3A_235 = vector.shape_cast %reduce_min3A_234 : vector<2048xf32> to vector<2048x1xf32>
    %lt3A_236 = arith.cmpf olt, %broadcast_in_dim3A_222, %min3A_207 : vector<2048x1xf32>
    %select_n3A_237 = arith.select %lt3A_236, %broadcast_in_dim3A_235, %select_n3A_206 : vector<2048x1xi1>, vector<2048x1xf32>
    %min3A_238 = arith.minimumf %broadcast_in_dim3A_222, %min3A_207 : vector<2048x1xf32>
    %convert_element_type3A = arith.fptosi %select_n3A_237 : vector<2048x1xf32> to vector<2048x1xi32>
    %reshape3A = vector.shape_cast %convert_element_type3A : vector<2048x1xi32> to vector<16x128xi32>
    %swap3A = arith.constant 0 : index
    %swap3A_239 = arith.constant 0 : index
    %swap3A_240 = vector.load %arg5[%swap3A, %swap3A_239] : memref<16x128xi32, #tpu.memory_space<vmem>>, vector<16x128xi32>
    tpu.vector_store %arg5[%swap3A, %swap3A_239], %reshape3A {strides = array<i32>} : memref<16x128xi32, #tpu.memory_space<vmem>>, vector<16x128xi32>,
    %eq3A_241 = arith.constant 0 : i32
    %eq3A_242 = arith.cmpi eq, %arg0, %eq3A_241 : i32
    %convert_element_type3A_243 = arith.extui %eq3A_242 : i1 to i32
    %cond3A = arith.constant 0 : i32
    %cond3A_244 = arith.cmpi ne, %convert_element_type3A_243, %cond3A : i32
    scf.if %cond3A_244 {
      %broadcast_in_dim3A_258 = arith.constant 0.000000e+00 : f32
      %broadcast_in_dim3A_259 = vector.broadcast %broadcast_in_dim3A_258 : f32 to vector<1x1xf32>
      %swap3A_260 = arith.constant 0 : index
      %swap3A_261 = arith.constant 0 : index
      %swap3A_262 = vector.load %arg6[%swap3A_260, %swap3A_261] : memref<1x1xf32, #tpu.memory_space<vmem>>, vector<1x1xf32>
      tpu.vector_store %arg6[%swap3A_260, %swap3A_261], %broadcast_in_dim3A_259 {strides = array<i32>} : memref<1x1xf32, #tpu.memory_space<vmem>>, vector<1x1xf32>,
    } else {
    }
    %get3A_245 = arith.constant 0 : index
    %get3A_246 = arith.constant 0 : index
    %get3A_247 = vector.load %arg6[%get3A_245, %get3A_246] : memref<1x1xf32, #tpu.memory_space<vmem>>, vector<1x1xf32>
    %reduce_sum3A_248 = vector.shape_cast %min3A_238 : vector<2048x1xf32> to vector<1x2048x1xf32>
    %reduce_sum3A_249 = arith.constant dense<0.000000e+00> : vector<1xf32>
    %reduce_sum3A_250 = vector.multi_reduction <add>, %reduce_sum3A_248, %reduce_sum3A_249 [1, 2] : vector<1x2048x1xf32> to vector<1xf32>
    %reduce_sum3A_251 = vector.shape_cast %reduce_sum3A_250 : vector<1xf32> to vector<1x1x1xf32>
    %reduce_sum3A_252 = vector.extract %reduce_sum3A_251[0, 0, 0] : f32 from vector<1x1x1xf32>
    %add3A_253 = vector.broadcast %reduce_sum3A_252 : f32 to vector<1x1xf32>
    %add3A_254 = arith.addf %get3A_247, %add3A_253 : vector<1x1xf32>
    %swap3A_255 = arith.constant 0 : index
    %swap3A_256 = arith.constant 0 : index
    %swap3A_257 = vector.load %arg6[%swap3A_255, %swap3A_256] : memref<1x1xf32, #tpu.memory_space<vmem>>, vector<1x1xf32>
    tpu.vector_store %arg6[%swap3A_255, %swap3A_256], %add3A_254 {strides = array<i32>} : memref<1x1xf32, #tpu.memory_space<vmem>>, vector<1x1xf32>,
    return
  }
  func.func @transform_0(%arg0: i32) -> (i32, i32) {
    %c0_i32 = arith.constant 0 : i32
    %c0_i32_0 = arith.constant 0 : i32
    return %arg0, %c0_i32 : i32, i32
  }
  func.func @transform_1(%arg0: i32) -> (i32, i32) {
    %c0_i32 = arith.constant 0 : i32
    %c0_i32_0 = arith.constant 0 : i32
    %c0_i32_1 = arith.constant 0 : i32
    return %c0_i32, %c0_i32_0 : i32, i32
  }
  func.func @transform_2(%arg0: i32) -> (i32, i32) {
    %c0_i32 = arith.constant 0 : i32
    %c0_i32_0 = arith.constant 0 : i32
    %c0_i32_1 = arith.constant 0 : i32
    return %c0_i32, %c0_i32_0 : i32, i32
  }
  func.func @transform_3(%arg0: i32) -> (i32, i32) {
    %c0_i32 = arith.constant 0 : i32
    %c0_i32_0 = arith.constant 0 : i32
    %c0_i32_1 = arith.constant 0 : i32
    return %c0_i32, %c0_i32_0 : i32, i32
  }
  func.func @transform_4(%arg0: i32) -> (i32, i32) {
    %c0_i32 = arith.constant 0 : i32
    %c0_i32_0 = arith.constant 0 : i32
    return %arg0, %c0_i32 : i32, i32
  }
  func.func @transform_5(%arg0: i32) -> (i32, i32) {
    %c0_i32 = arith.constant 0 : i32
    %c0_i32_0 = arith.constant 0 : i32
    %c0_i32_1 = arith.constant 0 : i32
    return %c0_i32, %c0_i32_0 : i32, i32
  }
}

</mosaic_0001>

<sc_bundles>
// kernel: kernel.4.cloned.1.call-start
scs
__scs_entry_jumppad:
0x0: {  	(pc) =	sbr.rel $0x88, $3  }
0x1: {  	(tag) =	ssettag $0x0;
	lr =	simm.s32 $0x1  }
0x2: {  	[smem:$0x3F9F] =	sst lr;
	_ =	strace $0xD0000000  }
0x3: {  	_ = 	snop  }
0x4: {  	_ = 	snop  }
0x5: {  	_ = 	snop  }
0x6: {  	_ = 	snop  }
0x7: {  	_ = 	snop  }
__scs_overlays_trampoline_lowered:
0x8: {  	[smem:$0x3FAE] =	sst s0  }
0x9: {  	[smem:$0x3FAF] =	sst s1  }
0xa: {  	[smem:$0x3FB0] =	sst s2  }
0xb: {  	[smem:$0x3FB1] =	sst s3  }
0xc: {  	[smem:$0x3FB2] =	sst s4  }
0xd: {  	[smem:$0x3FB3] =	sst s5  }
0xe: {  	[smem:$0x3FB4] =	sst s6  }
0xf: {  	[smem:$0x3FB5] =	sst s7  }
0x10: {  	[smem:$0x3FB6] =	sst s8  }
0x11: {  	[smem:$0x3FB7] =	sst s9;
	s0 =	simm.s32 @!p0 $0x0  }
0x12: {  	s1 =	sld [smem:$0x3F9D];
	s0 =	simm.s32 @p0 $0x1  }
0x13: {  	[smem:$0x3FB8] =	sst s0;
	s0 =	simm.s32 @!p1 $0x0  }
0x14: {  	s2 =	sld [smem:$0x3F9C];
	s0 =	simm.s32 @p1 $0x1  }
0x15: {  	[smem:$0x3FB9] =	sst s0;
	s0 =	simm.s32 @!p2 $0x0  }
0x16: {  	s3 =	sld [smem:$0x3FDB];
	s0 =	simm.s32 @p2 $0x1  }
0x17: {  	s4 =	simm.s32 $0x1BF5;
	[smem:$0x3FBB] =	sst s0  }
0x18: {  	s0 =	sld [smem:$0x3F9E];
	_ =	swait.ge [sflag:s4], $0x0  }
0x19: {  	s7 =	sld [smem:$0x3F9F]  }
0x1a: {  	s8 =	sadd.s32 $0xFFFFE003, lr  }
0x1b: {  	s9 =	sadd.s32 $0xFFFFFEF7, lr;
	s5 =	simm.s32 $0xFFFFFFFF;
	p2 =	slt.u32 s8, $0xFFFFF086  }
0x1c: {  	p1 =	slt.u32 s9, $0xF7A;
	s5 =	simm.s32 @!p2 $0x0  }
0x1d: {  	s5 =	simm.s32 @p1 $0x1;
	p0 =	seq.s32 s7, s2  }
0x1e: {  	s7 =	smul.u32 @!p0 $0xF7A, s2;
	p2 =	seq.s32 @!p0 s5, $0x0  }
0x1f: {  	s9 =	smul.u32 $0xF7A, s1;
	s8 =	simm.s32 @!p0 $0x1BF5;
	p2 =	por !p2, p0  }
0x20: {  	[sflag:s8] =	ssyncset.s32 @!p0 $0xFFFFF086;
	s6 =	sadd.s32 @!p0 s3, s7;
	s7 =	simm.s32 @!p0 $0x108  }
0x21: {  	s3 =	sadd.s32 s3, s9;
	s6 =	sadd.s32 @!p0 $0x88, s6;
	s7 =	simm.s32 @p2 $0x1082  }
0x22: {  	[simem:s7], [sflag:s8] =	dma.local @!p0 [hbm:s6], $0xF7A  }
0x23: {  	s9 =	sor.u32 $0xD0000000, s2;
	s6 =	simm.s32 $0x108;
	_ =	swait.ge @!p0 [sflag:s8], $0x0  }
0x24: {  	s3 =	sadd.s32 $0x88, s3;
	s6 =	simm.s32 @!p1 $0x1082;
	[sflag:s4] =	ssyncset.s32 $0xFFFFF086  }
0x25: {  	[simem:s6], [sflag:s4] =	dma.local [hbm:s3], $0xF7A  }
0x26: {  	[smem:$0x3F9F] =	sst s1;
	(tag) =	ssettag s2;
	_ =	strace s9  }
0x27: {  	s1 =	sld [smem:$0x3FAF]  }
0x28: {  	s2 =	sld [smem:$0x3FB0]  }
0x29: {  	s4 =	sld [smem:$0x3FB2]  }
0x2a: {  	p0 =	seq.s32 s5, $0x0;
	s5 =	sld [smem:$0x3FB3]  }
0x2b: {  	s6 =	sld [smem:$0x3FB4]  }
0x2c: {  	s7 =	sld [smem:$0x3FB5]  }
0x2d: {  	s3 =	simm.s32 $0x108;
	s8 =	sld [smem:$0x3FB6]  }
0x2e: {  	s3 =	simm.s32 @!p0 $0x1082;
	s9 =	sld [smem:$0x3FB7]  }
0x2f: {  	lr =	sadd.s32 s0, s3;
	s0 =	sld [smem:$0x3FAE]  }
0x30: {  	s3 =	sld [smem:$0x3FB1]  }
0x31: {  	[smem:$0x3FBA] =	sst s10  }
0x32: {  	s10 =	sld [smem:$0x3FB8];
	_ =	sdelay $0x3  }
0x33: {  	p0 =	seq.s32 s10, $0x1;
	s10 =	sld [smem:$0x3FBA];
	_ =	sdelay $0x3  }
0x34: {  	[smem:$0x3FBA] =	sst s10  }
0x35: {  	s10 =	sld [smem:$0x3FB9];
	_ =	sdelay $0x3  }
0x36: {  	p1 =	seq.s32 s10, $0x1;
	s10 =	sld [smem:$0x3FBA];
	_ =	sdelay $0x3  }
0x37: {  	[smem:$0x3FBA] =	sst s10  }
0x38: {  	s10 =	sld [smem:$0x3FBB]  }
0x39: {  	_ = 	snop;
	(pc) =	sbr.ind lr, $3  }
0x3a: {  	_ = 	snop  }
0x3b: {  	_ = 	snop  }
0x3c: {  	p2 =	seq.s32 s10, $0x1;
	s10 =	sld [smem:$0x3FBA]  }
0x3d: {  	_ =	shalt  }
0x3e: {  	_ =	shalt  }
0x3f: {  	_ =	shalt  }
0x40: {  	_ =	shalt  }
0x41: {  	_ =	shalt  }
0x42: {  	_ =	shalt  }
0x43: {  	_ =	shalt  }
0x44: {  	_ =	shalt  }
0x45: {  	_ =	shalt  }
0x46: {  	_ =	shalt  }
0x47: {  	_ =	shalt  }
0x48: {  	_ =	shalt  }
0x49: {  	_ =	shalt  }
0x4a: {  	_ =	shalt  }
0x4b: {  	_ =	shalt  }
0x4c: {  	_ =	shalt  }
0x4d: {  	_ =	shalt  }
0x4e: {  	_ =	shalt  }
0x4f: {  	_ =	shalt  }
0x50: {  	_ =	shalt  }
0x51: {  	_ =	shalt  }
0x52: {  	_ =	shalt  }
0x53: {  	_ =	shalt  }
0x54: {  	_ =	shalt  }
0x55: {  	_ =	shalt  }
0x56: {  	_ =	shalt  }
0x57: {  	_ =	shalt  }
0x58: {  	_ =	shalt  }
0x59: {  	_ =	shalt  }
0x5a: {  	_ =	shalt  }
0x5b: {  	_ =	shalt  }
0x5c: {  	_ =	shalt  }
0x5d: {  	_ =	shalt  }
0x5e: {  	_ =	shalt  }
0x5f: {  	_ =	shalt  }
0x60: {  	_ =	shalt  }
0x61: {  	_ =	shalt  }
0x62: {  	_ =	shalt  }
0x63: {  	_ =	shalt  }
0x64: {  	_ =	shalt  }
0x65: {  	_ =	shalt  }
0x66: {  	_ =	shalt  }
0x67: {  	_ =	shalt  }
0x68: {  	_ =	shalt  }
0x69: {  	_ =	shalt  }
0x6a: {  	_ =	shalt  }
0x6b: {  	_ =	shalt  }
0x6c: {  	_ =	shalt  }
0x6d: {  	_ =	shalt  }
0x6e: {  	_ =	shalt  }
0x6f: {  	_ =	shalt  }
0x70: {  	_ =	shalt  }
0x71: {  	_ =	shalt  }
0x72: {  	_ =	shalt  }
0x73: {  	_ =	shalt  }
0x74: {  	_ =	shalt  }
0x75: {  	_ =	shalt  }
0x76: {  	_ =	shalt  }
0x77: {  	_ =	shalt  }
0x78: {  	_ =	shalt  }
0x79: {  	_ =	shalt  }
0x7a: {  	_ =	shalt  }
0x7b: {  	_ =	shalt  }
0x7c: {  	_ =	shalt  }
0x7d: {  	_ =	shalt  }
0x7e: {  	_ =	shalt  }
0x7f: {  	_ =	shalt  }
0x80: {  	_ =	shalt  }
0x81: {  	_ =	shalt  }
0x82: {  	_ =	shalt  }
0x83: {  	_ =	shalt  }
0x84: {  	_ =	shalt  }
0x85: {  	_ =	shalt  }
0x86: {  	_ =	shalt  }
0x87: {  	_ =	shalt  }
.Lfunc_end0:
.L_simem_size_0:
called_computation_lowered:
.L_overlay_start_0:
0x88: {  	s2 =	sld [smem:$0x3FD9]  }
0x89: {  	s3 =	sld [smem:$0x3FFE];
	_ =	sdelay $0x1  }
0x8a: {  	s1 =	srdreg.scid  }
0x8b: {  	s0 =	sand.u32 $0x1, s1  }
0x8c: {  	s14 =	sshll.u32 s0, $0xA;
	s2 =	sadd.s32 s3, s2  }
0x8d: {  	s2 =	sadd.s32 s2, s14  }
0x8e: {  	[smem:$0x3FC6] =	sst s2  }
0x8f: {  	_ = 	snop  }
0x90: {  	s2 =	sld [smem:$0x3FD0];
	_ =	sdelay $0x2  }
0x91: {  	s15 =	simm.s32 $0xA;
	s4 =	simm.s32 $0x10  }
0x92: {  	[smem:s4], [sflag:s15] =	dma.local [hbm:s2], $0x1  }
0x93: {  	_ =	swait.eq [sflag:s15], $0x1  }
0x94: {  	[sflag:s15] =	ssyncset.done $0x0  }
0x95: {  	[sflag:s15] =	ssyncadd.s32 $0xFFFFFFFF  }
0x96: {  	s16 =	sld [smem:$0x10];
	(tm) =	ssettm $0x1  }
0x97: {  	s17 =	sld [smem:$0x3FFB];
	_ =	sdelay $0x3  }
0x98: {  	_ =	strace s17  }
0x99: {  	s3 =	sld [smem:$0x3FFC];
	_ =	sdelay $0x3  }
0x9a: {  	_ =	strace s3  }
0x9b: {  	s3 =	sld [smem:$0x3FFD];
	_ =	sdelay $0x3  }
0x9c: {  	_ =	strace s3  }
0x9d: {  	_ =	strace $0x8FFFFFFF  }
0x9e: {  	s18 =	sld [smem:$0x3FDB];
	_ =	sdelay $0x1  }
0x9f: {  	s19 =	simm.s32 $_scs_section_size  }
0xa0: {  	s5 =	simm.s32 $_size__tile_overlayer_lowered;
	s6 =	simm.s32 $_tile_overlayer_lowered  }
0xa1: {  	s22 =	simm.s32 $0x1BFF;
	s21 =	sshll.u32 s6, $0x1;
	s3 =	sadd.s32 s19, s18  }
0xa2: {  	s7 =	simm.s32 $0x0;
	s20 =	sshll.u32 s5, $0x1;
	s5 =	sadd.s32 s21, s3  }
0xa3: {  	[timem:s7], [sflag:s22] =	dma.local [hbm:s5], s20  }
0xa4: {  	_ =	swait.ge [sflag:s22], s20  }
0xa5: {  	s4 =	ssub.s32 $0x0, s20;
	[sflag:s22] =	ssyncset.done $0x0  }
0xa6: {  	[sflag:s22] =	ssyncadd.s32 s4;
	_ =	sdelay $0x1  }
0xa7: {  	s23 =	simm.s32 $0x1B8B  }
0xa8: {  	_ =	swait.ge [sflag:s23], $0x1  }
0xa9: {  	[sflag:s23] =	ssyncset.done $0x0  }
0xaa: {  	s25 =	simm.s32 $0x1B8E;
	s24 =	sld [smem:$0x3FFE];
	[sflag:s23] =	ssyncadd.s32 $0xFFFFFFFF  }
0xab: {  	s26 =	simm.s32 $execute0_lowered;
	[smem:$0x3FD2] =	sst s25  }
0xac: {  	s5 =	sshll.u32 s26, $0x1;
	_ =	strace $0x80000046;
	[dreg:$0x1] =	wrdreg $0xFFFFFFFF  }
0xad: {  	s28 =	simm.s32 $_size_execute0_lowered;
	s3 =	sadd.s32 s3, s5;
	[dreg:$0x0] =	wrdreg $0x0  }
0xae: {  	s5 =	sshll.u32 s28, $0x1;
	[dreg:$0x2] =	wrdreg s3  }
0xaf: {  	[dreg:$0x3] =	wrdreg s5  }
0xb0: {  	[dreg:$0x4] =	wrdreg $0xC0  }
0xb1: {  	_ =	task [dreg:s7], $0x5FFFF  }
0xb2: {  	[dreg:$0x1] =	wrdreg $0xFFFFFFFF  }
0xb3: {  	[dreg:$0x0] =	wrdreg $0x60  }
0xb4: {  	[dreg:$0x2] =	wrdreg s24  }
0xb5: {  	[dreg:$0x3] =	wrdreg s16  }
0xb6: {  	[dreg:$0x4] =	wrdreg $0x9  }
0xb7: {  	_ =	task.clear_ibuf [dreg:s7], $0x5FFFF;
	_ =	strace $0x90000046  }
0xb8: {  	s29 =	simm.s32 $0x9;
	_ =	strace $0x80000048  }
0xb9: {  	_ =	swait.ge [sflag:s29], $0x1  }
0xba: {  	[sflag:s29] =	ssyncadd.s32 $0xFFFFFFFF  }
0xbb: {  	_ =	strace $0x90000048  }
0xbc: {  	_ =	sfence  }
0xbd: {  	s30 =	sld [smem:$0x0];
	_ =	sdelay $0x2  }
0xbe: {  	s31 =	sshll.u32 s1, $0xD;
	s1 =	sshrl.u32 s1, $0x2  }
0xbf: {  	s3 =	sand.u32 $0x4000, s31;
	s1 =	sadd.s32 s1, s30  }
0xc0: {  	s0 =	sor.u32 s3, s0;
	s1 =	sshll.u32 s1, $0x11  }
0xc1: {  	s0 =	sor.u32 s1, s0  }
0xc2: {  	s0 =	sadd.s32 $0x8F2B, s0  }
0xc3: {  	[sflag:s0] =	ssyncadd.remote.s32 $0x1  }
0xc4: {  	_ =	sfence.sel $0xFFFF  }
0xc5: {  	[dreg:$0x0] =	wrdreg $0xFFFFFFFF;
	(pc) =	sbr.abs _section_cstart, $3  }
0xc6: {  	[dreg:$0x1] =	wrdreg $0xFFFFFFFF  }
0xc7: {  	_ =	task.clear_ibuf [dreg:s7], $0x2FFFF;
	_ =	strace $0x9FFFFFFF  }
0xc8: {  	(tm) =	ssettm $0x7FFFFFFF  }
0xc9: {  	_ =	shalt  }
tec
execute0_lowered:
.L_overlay_start_1:
0x0: {  	(tag) =	ssettag $0x1  }
0x1: {  	s1 =	srdreg.scid;
	s0 =	stileid.u32  }
0x2: {  	s5 =	rddreg [dreg:$0x0];
	s14 =	sand.u32 $0x1, s1;
	s29 =	sshll.u32 s0, $0x1  }
0x3: {  	s15 =	rddreg [dreg:$0x1];
	s16 =	sor.u32 s14, s29  }
0x4: {  	s2 =	simm.s32 $0x0;
	s1 =	rddreg [dreg:$0x2];
	s3 =	sshll.u32 s16, $0x6  }
0x5: {  	[smem:$0x7FF] =	sst s2;
	s3 =	sadd.s32 s3, s5  }
0x6: {  	_ =	strace $0x80000047;
	s4 =	sadd.s32 $0x11200, s3;
	s3 =	simm.s32 $0x2  }
0x7: {  	[tilespmem:s2], [sflag:$0x2] =	stream.linear.gather [hbm4b:s4+s2], $0x200, $0x38;
	[tilespmem:$0x8200] =	vst v63  }
0x8: {  	_ =	swait.ge [sflag:s3], $0x200  }
0x9: {  	s6 =	simm.s32 $0x80;
	[sflag:s3] =	ssyncset.done $0x0  }
0xa: {  	s7 =	simm.s32 $0x200;
	s5 =	sadd.s32 $0x1200, s5;
	[sflag:s3] =	ssyncadd.s32 $0xFFFFFE00  }
0xb: {  	[tilespmem:s7], [sflag:$0x1] =	stream.indirect.gather [hbm4b:s5+s6], $0x40, s2, s6, $0xb8;
	[tilespmem:$0x8200] =	vst v63  }
0xc: {  	s8 =	simm.s32 $0x2200  }
0xd: {  	[tilespmem:s8], [sflag:$0x1] =	stream.indirect.gather [hbm4b:s5+s6], $0x40, s6, s6, $0xb8;
	[tilespmem:$0x8200] =	vst v63  }
0xe: {  	s9 =	simm.s32 $0x100;
	s10 =	simm.s32 $0x4200  }
0xf: {  	[tilespmem:s10], [sflag:$0x1] =	stream.indirect.gather [hbm4b:s5+s6], $0x40, s9, s6, $0xb8;
	[tilespmem:$0x8200] =	vst v63  }
0x10: {  	s11 =	simm.s32 $0x180;
	s12 =	simm.s32 $0x6200;
	s13 =	simm.s32 $0x1  }
0x11: {  	[tilespmem:s12], [sflag:$0x1] =	stream.indirect.gather [hbm4b:s5+s6], $0x40, s11, s6, $0xb8;
	[tilespmem:$0x8200] =	vst v63  }
0x12: {  	_ =	swait.ge [sflag:s13], $0x2000  }
0x13: {  	[sflag:s13] =	ssyncset.done $0x0  }
0x14: {  	[sflag:s13] =	ssyncadd.s32 $0xFFFFE000  }
0x15: {  	_ =	swait.ge [sflag:s13], $0x2000  }
0x16: {  	[sflag:s13] =	ssyncset.done $0x0  }
0x17: {  	s14 =	ssub.s32 $0x2, s14;
	[sflag:s13] =	ssyncadd.s32 $0xFFFFE000  }
0x18: {  	s17 =	sshrl.u32 s14, $0x1;
	_ =	swait.ge [sflag:s13], $0x2000  }
0x19: {  	s17 =	ssub.s32 s14, s17;
	[sflag:s13] =	ssyncset.done $0x0  }
0x1a: {  	s31 =	smax.u32 s17, $0x1;
	[sflag:s13] =	ssyncadd.s32 $0xFFFFE000  }
0x1b: {  	p0 =	sne.s32 s31, $0x1;
	_ =	swait.ge [sflag:s13], $0x2000  }
.Ltmp0:
0x1c: {  	s30 =	sshll.u32 s16, $0xC;
	[sflag:s13] =	ssyncset.done $0x0;
	(pc) =	sbr.rel @!p0 .LBB2_2-.Ltmp0, $4  }
0x1d: {  	s14 =	sadd.s32 s15, s30;
	[sflag:s13] =	ssyncadd.s32 $0xFFFFE000  }
0x1e: {  	[hbm4b:s14+s2] =	stream.linear.scatter [tilespmem:s7], [sflag:$0x2], $0x8000, $0x38;
	[tilespmem:$0x8200] =	vst v63  }
0x1f: {  	_ =	swait.ge [sflag:s3], $0x8000  }
0x20: {  	s15 =	sadd.s32 $0xFFFFFFFF, s31;
	[sflag:s3] =	ssyncset.done $0x0  }
.LBB2_1:
0x21: {  	p0 =	sne.s32 s15, $0x1;
	s15 =	sadd.s32 $0xFFFFFFFF, s15;
	[sflag:s3] =	ssyncadd.s32 $0xFFFF8000  }
0x22: {  	[tilespmem:s2], [sflag:$0x2] =	stream.linear.gather [hbm4b:s4+s2], $0x200, $0x38;
	[tilespmem:$0x8200] =	vst v63  }
0x23: {  	_ =	swait.ge [sflag:s3], $0x200  }
0x24: {  	[sflag:s3] =	ssyncset.done $0x0  }
0x25: {  	[sflag:s3] =	ssyncadd.s32 $0xFFFFFE00  }
0x26: {  	[tilespmem:s7], [sflag:$0x1] =	stream.indirect.gather [hbm4b:s5+s6], $0x40, s2, s6, $0xb8;
	[tilespmem:$0x8200] =	vst v63  }
0x27: {  	_ = 	snop  }
0x28: {  	[tilespmem:s8], [sflag:$0x1] =	stream.indirect.gather [hbm4b:s5+s6], $0x40, s6, s6, $0xb8;
	[tilespmem:$0x8200] =	vst v63  }
0x29: {  	_ = 	snop  }
0x2a: {  	[tilespmem:s10], [sflag:$0x1] =	stream.indirect.gather [hbm4b:s5+s6], $0x40, s9, s6, $0xb8;
	[tilespmem:$0x8200] =	vst v63  }
0x2b: {  	_ = 	snop  }
0x2c: {  	[tilespmem:s12], [sflag:$0x1] =	stream.indirect.gather [hbm4b:s5+s6], $0x40, s11, s6, $0xb8;
	[tilespmem:$0x8200] =	vst v63  }
0x2d: {  	_ =	swait.ge [sflag:s13], $0x2000  }
0x2e: {  	[sflag:s13] =	ssyncset.done $0x0  }
0x2f: {  	[sflag:s13] =	ssyncadd.s32 $0xFFFFE000  }
0x30: {  	_ =	swait.ge [sflag:s13], $0x2000  }
0x31: {  	[sflag:s13] =	ssyncset.done $0x0  }
0x32: {  	[sflag:s13] =	ssyncadd.s32 $0xFFFFE000  }
0x33: {  	_ =	swait.ge [sflag:s13], $0x2000  }
0x34: {  	[sflag:s13] =	ssyncset.done $0x0  }
0x35: {  	[sflag:s13] =	ssyncadd.s32 $0xFFFFE000  }
0x36: {  	_ =	swait.ge [sflag:s13], $0x2000  }
.Ltmp1:
0x37: {  	[sflag:s13] =	ssyncset.done $0x0;
	(pc) =	sbr.rel @p0 .LBB2_1-.Ltmp1, $4  }
0x38: {  	[sflag:s13] =	ssyncadd.s32 $0xFFFFE000  }
0x39: {  	[hbm4b:s14+s2] =	stream.linear.scatter [tilespmem:s7], [sflag:$0x2], $0x8000, $0x38;
	[tilespmem:$0x8200] =	vst v63  }
0x3a: {  	_ =	swait.ge [sflag:s3], $0x8000  }
0x3b: {  	[sflag:s3] =	ssyncset.done $0x0  }
.LBB2_2:
0x3c: {  	[sflag:s3] =	ssyncadd.s32 $0xFFFF8000  }
0x3d: {  	_ =	sfence.sel $0x180000  }
0x3e: {  	[bflag:$0x0] =	sbarrier.arrive $0xFFFF  }
0x3f: {  	p0 =	sne.s32 s0, $0x0;
	_ =	strace $0x90000047  }
0x40: {  	s0 =	sadd.s32 @!p0 $0x100000, s1;
	[bflag:$0x2] =	sbarrier.arrive $0xFFFF  }
0x41: {  	[sflag:s0] =	ssyncadd.tile.s32 @!p0 $0x1;
	_ =	shalt  }
.Lfunc_end2:
_tile_overlayer_lowered:
.L_overlay_start_2:
0x42: {  	(tag) =	ssettag $0x2  }
0x43: {  	s0 =	rddreg [dreg:$0x0];
	s2 =	stileid.u32  }
0x44: {  	s1 =	rddreg [dreg:$0x1];
	p0 =	sne.s32 s2, $0x0  }
0x45: {  	s3 =	rddreg [dreg:$0x2];
	[bflag:$0x3] =	sbarrier.arrive $0xFFFF;
	s2 =	simm.s32 @!p0 $0x1C02  }
0x46: {  	[timem:s3], [sflag:s2] =	dma.local @!p0 [hbm:s0], s1  }
0x47: {  	s0 =	simm.s32 @!p0 $0x2  }
0x48: {  	_ =	swait.ge @!p0 [sflag:s0], s1  }
0x49: {  	s1 =	ssub.s32 @!p0 $0x0, s1;
	[sflag:s0] =	ssyncset.done @!p0 $0x0  }
0x4a: {  	[sflag:s0] =	ssyncadd.s32 @!p0 s1  }
0x4b: {  	[bflag:$0x3] =	sbarrier.arrive $0xFFFF  }
0x4c: {  	_ =	shalt  }

</sc_bundles>
